<compile_context>
chip_gen: v7x
topology: tpu7x:2x2x1
jax: 0.10.2.dev20260603
libtpu: 0.0.44.dev20260713+nightly
codegen_flags: <defaults>
</compile_context>

<pallas_src>
import functools

import jax
import jax.numpy as jnp
from jax import lax
from jax.experimental import pallas as pl
from jax.experimental.pallas import tpu as pltpu
from jax.experimental.pallas import tpu_sc as plsc

BATCH = 4096
FIELDS = 26
D = 1000
B = BATCH * FIELDS

NC, NS = 2, 16
NW = NC * NS
B_PER_W = B // NW
CHUNK = 64
N_STEPS = B_PER_W // CHUNK

_sc_mesh = plsc.VectorSubcoreMesh(core_axis_name="c", subcore_axis_name="s")


@functools.partial(
    pl.kernel,
    mesh=_sc_mesh,
    compiler_params=pltpu.CompilerParams(use_tc_tiling_on_sc=False),
    out_type=jax.ShapeDtypeStruct((B, D), jnp.float32),
    scratch_types=[
        pltpu.VMEM((CHUNK,), jnp.int32),
        pltpu.VMEM((CHUNK, D), jnp.float32),
        pltpu.SemaphoreType.DMA,
    ],
)
def _gather_sc(idx_hbm, table_hbm, out_hbm, idx_v, rows_v, sem):
    wid = lax.axis_index("s") * NC + lax.axis_index("c")
    base0 = wid * B_PER_W

    def body(i, carry):
        base = base0 + i * CHUNK
        pltpu.sync_copy(idx_hbm.at[pl.ds(base, CHUNK)], idx_v)
        pltpu.async_copy(table_hbm.at[idx_v], rows_v, sem).wait()
        pltpu.sync_copy(rows_v, out_hbm.at[pl.ds(base, CHUNK)])
        return carry

    lax.fori_loop(0, N_STEPS, body, 0)


def _bool_body(x_ref, o_ref):
    xv = x_ref[...]
    lane = lax.broadcasted_iota(jnp.int32, (o_ref.shape[0], D), 1)
    for f in range(FIELDS):
        idx = xv[:, f:f + 1] - 1
        o_ref[:, f * D:(f + 1) * D] = (lane == idx).astype(jnp.float32)


_BB = 128


def _onehot_tc(xi):
    return pl.pallas_call(
        _bool_body,
        grid=(BATCH // _BB,),
        in_specs=[pl.BlockSpec((_BB, FIELDS), lambda i: (i, 0))],
        out_specs=pl.BlockSpec((_BB, FIELDS * D), lambda i: (i, 0)),
        out_shape=jax.ShapeDtypeStruct((BATCH, FIELDS * D), jnp.float32),
    )(xi)


def kernel(x, vals, ohe):
    xi = x.astype(jnp.int32)
    embed = _gather_sc(xi.reshape(B), vals)
    embed_bool = _onehot_tc(xi)
    return embed.reshape(BATCH, FIELDS * D), embed_bool

# --- scband reference (transcript-rebuilt; emitter-appended) ---
"""Pipeline reference for scband-embeddings-89970974916772 (READ-ONLY COPY).

The authoritative reference and input builder live on the scoring server;
editing this copy changes nothing except your own understanding.
"""

import jax, jax.numpy as jnp
import numpy as np

NUM_EMB = 1000  # embedding_dim = num_embeddings
HAS_ZERO = True
BATCH = 4096
FIELDS = 26


def setup_inputs(seed: int = 0) -> dict:
    key = jax.random.key(seed)
    k1, k2 = jax.random.split(key)
    rows = NUM_EMB + 1 if HAS_ZERO else NUM_EMB
    x = jax.random.randint(k1, (BATCH, FIELDS), 0, rows, dtype=jnp.int64)
    vals = jax.random.normal(k2, (rows, NUM_EMB), dtype=jnp.float32)
    if HAS_ZERO:
        ohe = jnp.concatenate([jnp.zeros((1, NUM_EMB), dtype=jnp.float32), jnp.eye(NUM_EMB, dtype=jnp.float32)], axis=0)
    else:
        ohe = jnp.eye(NUM_EMB, dtype=jnp.float32)
    return {"x": x, "vals": vals, "ohe": ohe}


def reference(x, vals, ohe):
    embedding_dim = NUM_EMB
    shape = (-1, embedding_dim * x.shape[1])
    embed = jnp.take(vals, x, axis=0).reshape(shape)
    embed_bool = jnp.take(ohe, x, axis=0).reshape(shape)
    return (embed, embed_bool)

if __name__ == "__main__":
    import jax
    _d = setup_inputs()
    print(jax.jit(kernel)(*tuple(_d.values())))

</pallas_src>

<mosaic_0001>
#map = affine_map<(d0, d1) -> (0)>
#map1 = affine_map<(d0, d1) -> (0, 0)>
module attributes {stable_mosaic.version = 14 : i64} {
  func.func @_gather_sc(%arg0: i32, %arg1: i32, %arg2: memref<106496xi32, #tpu.memory_space<hbm>>, %arg3: memref<1001x1000xf32, #tpu.memory_space<hbm>>, %arg4: memref<106496x1000xf32, #tpu.memory_space<hbm>>, %arg5: memref<64xi32, #tpu.memory_space<vmem>>, %arg6: memref<64x1000xf32, #tpu.memory_space<vmem>>, %arg7: memref<!tpu.dma_semaphore, #tpu.memory_space<semaphore_mem>>) attributes {dimension_semantics = [#tpu.dimension_semantics<core_parallel>, #tpu.dimension_semantics<subcore_parallel>], iteration_bounds = array<i64: 2, 16>, scalar_prefetch = 0 : i64, scratch_operands = 3 : i64, tpu.core_type = #tpu.core_type<sc_vector_subcore>, window_params = [{transform_indices = #map}, {transform_indices = #map1}, {transform_indices = #map1}]} {
    %mul3A = arith.constant 2 : i32
    %mul3A_0 = arith.muli %arg1, %mul3A : i32
    %add3A = arith.addi %mul3A_0, %arg0 : i32
    %mul3A_1 = arith.constant 3328 : i32
    %mul3A_2 = arith.muli %add3A, %mul3A_1 : i32
    %scan3A = arith.constant 0 : i32
    %scan3A_3 = arith.constant 0 : i32
    %scan3A_4 = arith.constant 52 : i32
    %scan3A_5 = arith.addi %scan3A_3, %scan3A_4 : i32
    %scan3A_6 = arith.constant 1 : i32
    scf.for %scan3A_8 = %scan3A_3 to %scan3A_5 step %scan3A_6  : i32 {
      %mul3A_9 = arith.constant 64 : i32
      %mul3A_10 = arith.muli %scan3A_8, %mul3A_9 : i32
      %add3A_11 = arith.addi %mul3A_2, %mul3A_10 : i32
      "tpu.region"() ({
        %run_scoped3A = tpu.sem_alloc : memref<!tpu.dma_semaphore, #tpu.memory_space<semaphore_mem>>
        %dma_start3A_16 = tpu.memref_slice %arg2[%add3A_11] : memref<106496xi32, #tpu.memory_space<hbm>> -> memref<64xi32, #tpu.memory_space<hbm>>
        %dma_start3A_17 = tpu.memref_slice %arg2[%add3A_11] : memref<106496xi32, #tpu.memory_space<hbm>> -> memref<64xi32, #tpu.memory_space<hbm>>
        tpu.enqueue_dma source(%dma_start3A_17 : memref<64xi32, #tpu.memory_space<hbm>>) target(%arg5 : memref<64xi32, #tpu.memory_space<vmem>>) target_semaphore(%run_scoped3A : memref<!tpu.dma_semaphore, #tpu.memory_space<semaphore_mem>>)
        %dma_wait3A_18 = tpu.memref_slice %arg2[%add3A_11] : memref<106496xi32, #tpu.memory_space<hbm>> -> memref<64xi32, #tpu.memory_space<hbm>>
        %dma_wait3A_19 = tpu.memref_slice %arg2[%add3A_11] : memref<106496xi32, #tpu.memory_space<hbm>> -> memref<64xi32, #tpu.memory_space<hbm>>
        tpu.wait_dma2 semaphore(%run_scoped3A : memref<!tpu.dma_semaphore, #tpu.memory_space<semaphore_mem>>) src(%dma_wait3A_19 : memref<64xi32, #tpu.memory_space<hbm>>) dst(%arg5 : memref<64xi32, #tpu.memory_space<vmem>>)
        tpu.yield
      }) : () -> ()
      %dma_start3A = arith.constant 0 : i32
      %dma_start3A_12 = arith.constant 0 : i32
      %dma_start3A_13 = tpu.memref_slice %arg3[%dma_start3A, %dma_start3A_12] : memref<1001x1000xf32, #tpu.memory_space<hbm>> -> memref<1001x1000xf32, #tpu.memory_space<hbm>>
      tpu.enqueue_indirect_dma source(%dma_start3A_13 : memref<1001x1000xf32, #tpu.memory_space<hbm>>) target(%arg6 : memref<64x1000xf32, #tpu.memory_space<vmem>>) offsets(%arg5 : memref<64xi32, #tpu.memory_space<vmem>>) semaphore(%arg7 : memref<!tpu.dma_semaphore, #tpu.memory_space<semaphore_mem>>)
      %dma_wait3A = arith.constant 0 : i32
      %dma_wait3A_14 = arith.constant 0 : i32
      %dma_wait3A_15 = tpu.memref_slice %arg3[%dma_wait3A, %dma_wait3A_14] : memref<1001x1000xf32, #tpu.memory_space<hbm>> -> memref<1001x1000xf32, #tpu.memory_space<hbm>>
      tpu.wait_indirect_dma semaphore(%arg7 : memref<!tpu.dma_semaphore, #tpu.memory_space<semaphore_mem>>) src(%dma_wait3A_15 : memref<1001x1000xf32, #tpu.memory_space<hbm>>) dst(%arg6 : memref<64x1000xf32, #tpu.memory_space<vmem>>)
      "tpu.region"() ({
        %run_scoped3A = tpu.sem_alloc : memref<!tpu.dma_semaphore, #tpu.memory_space<semaphore_mem>>
        %dma_start3A_16 = arith.constant 0 : i32
        %dma_start3A_17 = tpu.memref_slice %arg4[%add3A_11, %dma_start3A_16] : memref<106496x1000xf32, #tpu.memory_space<hbm>> -> memref<64x1000xf32, #tpu.memory_space<hbm>>
        %dma_start3A_18 = arith.constant 0 : i32
        %dma_start3A_19 = tpu.memref_slice %arg4[%add3A_11, %dma_start3A_18] : memref<106496x1000xf32, #tpu.memory_space<hbm>> -> memref<64x1000xf32, #tpu.memory_space<hbm>>
        tpu.enqueue_dma source(%arg6 : memref<64x1000xf32, #tpu.memory_space<vmem>>) target(%dma_start3A_19 : memref<64x1000xf32, #tpu.memory_space<hbm>>) target_semaphore(%run_scoped3A : memref<!tpu.dma_semaphore, #tpu.memory_space<semaphore_mem>>)
        %dma_wait3A_20 = arith.constant 0 : i32
        %dma_wait3A_21 = tpu.memref_slice %arg4[%add3A_11, %dma_wait3A_20] : memref<106496x1000xf32, #tpu.memory_space<hbm>> -> memref<64x1000xf32, #tpu.memory_space<hbm>>
        %dma_wait3A_22 = arith.constant 0 : i32
        %dma_wait3A_23 = tpu.memref_slice %arg4[%add3A_11, %dma_wait3A_22] : memref<106496x1000xf32, #tpu.memory_space<hbm>> -> memref<64x1000xf32, #tpu.memory_space<hbm>>
        tpu.wait_dma2 semaphore(%run_scoped3A : memref<!tpu.dma_semaphore, #tpu.memory_space<semaphore_mem>>) src(%arg6 : memref<64x1000xf32, #tpu.memory_space<vmem>>) dst(%dma_wait3A_23 : memref<64x1000xf32, #tpu.memory_space<hbm>>)
        tpu.yield
      }) : () -> ()
    }
    %scan3A_7 = arith.constant 52 : i32
    return
  }
}

module attributes {stable_mosaic.version = 14 : i64} {
  func.func @_bool_body(%arg0: i32, %arg1: memref<128x26xi32, #tpu.memory_space<vmem>>, %arg2: memref<128x26000xf32, #tpu.memory_space<vmem>>) attributes {dimension_semantics = [#tpu.dimension_semantics<arbitrary>], iteration_bounds = array<i64: 32>, scalar_prefetch = 0 : i64, scratch_operands = 0 : i64, tpu.core_type = #tpu.core_type<tc>, window_params = [{transform_indices = @transform_0, window_bounds = array<i64: 128, 26>}, {transform_indices = @transform_1, window_bounds = array<i64: 128, 26000>}]} {
    %get3A = arith.constant 0 : index
    %get3A_0 = arith.constant 0 : index
    %get3A_1 = vector.load %arg1[%get3A, %get3A_0] : memref<128x26xi32, #tpu.memory_space<vmem>>, vector<128x26xi32>
    %iota3A = tpu.iota {dimensions = array<i32: 1>} : vector<128x1000xi32>
    %slice3A = vector.extract_strided_slice %get3A_1 {offsets = [0, 0], sizes = [128, 1], strides = [1, 1]} : vector<128x26xi32> to vector<128x1xi32>
    %sub3A = arith.constant 1 : i32
    %sub3A_2 = vector.broadcast %sub3A : i32 to vector<128x1xi32>
    %sub3A_3 = arith.subi %slice3A, %sub3A_2 : vector<128x1xi32>
    %eq3A = vector.broadcast %sub3A_3 : vector<128x1xi32> to vector<128x1000xi32>
    %eq3A_4 = arith.cmpi eq, %iota3A, %eq3A : vector<128x1000xi32>
    %convert_element_type3A = arith.extui %eq3A_4 : vector<128x1000xi1> to vector<128x1000xi32>
    %convert_element_type3A_5 = arith.sitofp %convert_element_type3A : vector<128x1000xi32> to vector<128x1000xf32>
    %swap3A = arith.constant 0 : index
    %swap3A_6 = arith.constant 0 : index
    %swap3A_7 = vector.load %arg2[%swap3A, %swap3A_6] : memref<128x26000xf32, #tpu.memory_space<vmem>>, vector<128x1000xf32>
    tpu.vector_store %arg2[%swap3A, %swap3A_6], %convert_element_type3A_5 {strides = array<i32>} : memref<128x26000xf32, #tpu.memory_space<vmem>>, vector<128x1000xf32>,
    %slice3A_8 = vector.extract_strided_slice %get3A_1 {offsets = [0, 1], sizes = [128, 1], strides = [1, 1]} : vector<128x26xi32> to vector<128x1xi32>
    %sub3A_9 = arith.constant 1 : i32
    %sub3A_10 = vector.broadcast %sub3A_9 : i32 to vector<128x1xi32>
    %sub3A_11 = arith.subi %slice3A_8, %sub3A_10 : vector<128x1xi32>
    %eq3A_12 = vector.broadcast %sub3A_11 : vector<128x1xi32> to vector<128x1000xi32>
    %eq3A_13 = arith.cmpi eq, %iota3A, %eq3A_12 : vector<128x1000xi32>
    %convert_element_type3A_14 = arith.extui %eq3A_13 : vector<128x1000xi1> to vector<128x1000xi32>
    %convert_element_type3A_15 = arith.sitofp %convert_element_type3A_14 : vector<128x1000xi32> to vector<128x1000xf32>
    %swap3A_16 = arith.constant 0 : index
    %swap3A_17 = arith.constant 1000 : index
    %swap3A_18 = vector.load %arg2[%swap3A_16, %swap3A_17] : memref<128x26000xf32, #tpu.memory_space<vmem>>, vector<128x1000xf32>
    tpu.vector_store %arg2[%swap3A_16, %swap3A_17], %convert_element_type3A_15 {strides = array<i32>} : memref<128x26000xf32, #tpu.memory_space<vmem>>, vector<128x1000xf32>,
    %slice3A_19 = vector.extract_strided_slice %get3A_1 {offsets = [0, 2], sizes = [128, 1], strides = [1, 1]} : vector<128x26xi32> to vector<128x1xi32>
    %sub3A_20 = arith.constant 1 : i32
    %sub3A_21 = vector.broadcast %sub3A_20 : i32 to vector<128x1xi32>
    %sub3A_22 = arith.subi %slice3A_19, %sub3A_21 : vector<128x1xi32>
    %eq3A_23 = vector.broadcast %sub3A_22 : vector<128x1xi32> to vector<128x1000xi32>
    %eq3A_24 = arith.cmpi eq, %iota3A, %eq3A_23 : vector<128x1000xi32>
    %convert_element_type3A_25 = arith.extui %eq3A_24 : vector<128x1000xi1> to vector<128x1000xi32>
    %convert_element_type3A_26 = arith.sitofp %convert_element_type3A_25 : vector<128x1000xi32> to vector<128x1000xf32>
    %swap3A_27 = arith.constant 0 : index
    %swap3A_28 = arith.constant 2000 : index
    %swap3A_29 = vector.load %arg2[%swap3A_27, %swap3A_28] : memref<128x26000xf32, #tpu.memory_space<vmem>>, vector<128x1000xf32>
    tpu.vector_store %arg2[%swap3A_27, %swap3A_28], %convert_element_type3A_26 {strides = array<i32>} : memref<128x26000xf32, #tpu.memory_space<vmem>>, vector<128x1000xf32>,
    %slice3A_30 = vector.extract_strided_slice %get3A_1 {offsets = [0, 3], sizes = [128, 1], strides = [1, 1]} : vector<128x26xi32> to vector<128x1xi32>
    %sub3A_31 = arith.constant 1 : i32
    %sub3A_32 = vector.broadcast %sub3A_31 : i32 to vector<128x1xi32>
    %sub3A_33 = arith.subi %slice3A_30, %sub3A_32 : vector<128x1xi32>
    %eq3A_34 = vector.broadcast %sub3A_33 : vector<128x1xi32> to vector<128x1000xi32>
    %eq3A_35 = arith.cmpi eq, %iota3A, %eq3A_34 : vector<128x1000xi32>
    %convert_element_type3A_36 = arith.extui %eq3A_35 : vector<128x1000xi1> to vector<128x1000xi32>
    %convert_element_type3A_37 = arith.sitofp %convert_element_type3A_36 : vector<128x1000xi32> to vector<128x1000xf32>
    %swap3A_38 = arith.constant 0 : index
    %swap3A_39 = arith.constant 3000 : index
    %swap3A_40 = vector.load %arg2[%swap3A_38, %swap3A_39] : memref<128x26000xf32, #tpu.memory_space<vmem>>, vector<128x1000xf32>
    tpu.vector_store %arg2[%swap3A_38, %swap3A_39], %convert_element_type3A_37 {strides = array<i32>} : memref<128x26000xf32, #tpu.memory_space<vmem>>, vector<128x1000xf32>,
    %slice3A_41 = vector.extract_strided_slice %get3A_1 {offsets = [0, 4], sizes = [128, 1], strides = [1, 1]} : vector<128x26xi32> to vector<128x1xi32>
    %sub3A_42 = arith.constant 1 : i32
    %sub3A_43 = vector.broadcast %sub3A_42 : i32 to vector<128x1xi32>
    %sub3A_44 = arith.subi %slice3A_41, %sub3A_43 : vector<128x1xi32>
    %eq3A_45 = vector.broadcast %sub3A_44 : vector<128x1xi32> to vector<128x1000xi32>
    %eq3A_46 = arith.cmpi eq, %iota3A, %eq3A_45 : vector<128x1000xi32>
    %convert_element_type3A_47 = arith.extui %eq3A_46 : vector<128x1000xi1> to vector<128x1000xi32>
    %convert_element_type3A_48 = arith.sitofp %convert_element_type3A_47 : vector<128x1000xi32> to vector<128x1000xf32>
    %swap3A_49 = arith.constant 0 : index
    %swap3A_50 = arith.constant 4000 : index
    %swap3A_51 = vector.load %arg2[%swap3A_49, %swap3A_50] : memref<128x26000xf32, #tpu.memory_space<vmem>>, vector<128x1000xf32>
    tpu.vector_store %arg2[%swap3A_49, %swap3A_50], %convert_element_type3A_48 {strides = array<i32>} : memref<128x26000xf32, #tpu.memory_space<vmem>>, vector<128x1000xf32>,
    %slice3A_52 = vector.extract_strided_slice %get3A_1 {offsets = [0, 5], sizes = [128, 1], strides = [1, 1]} : vector<128x26xi32> to vector<128x1xi32>
    %sub3A_53 = arith.constant 1 : i32
    %sub3A_54 = vector.broadcast %sub3A_53 : i32 to vector<128x1xi32>
    %sub3A_55 = arith.subi %slice3A_52, %sub3A_54 : vector<128x1xi32>
    %eq3A_56 = vector.broadcast %sub3A_55 : vector<128x1xi32> to vector<128x1000xi32>
    %eq3A_57 = arith.cmpi eq, %iota3A, %eq3A_56 : vector<128x1000xi32>
    %convert_element_type3A_58 = arith.extui %eq3A_57 : vector<128x1000xi1> to vector<128x1000xi32>
    %convert_element_type3A_59 = arith.sitofp %convert_element_type3A_58 : vector<128x1000xi32> to vector<128x1000xf32>
    %swap3A_60 = arith.constant 0 : index
    %swap3A_61 = arith.constant 5000 : index
    %swap3A_62 = vector.load %arg2[%swap3A_60, %swap3A_61] : memref<128x26000xf32, #tpu.memory_space<vmem>>, vector<128x1000xf32>
    tpu.vector_store %arg2[%swap3A_60, %swap3A_61], %convert_element_type3A_59 {strides = array<i32>} : memref<128x26000xf32, #tpu.memory_space<vmem>>, vector<128x1000xf32>,
    %slice3A_63 = vector.extract_strided_slice %get3A_1 {offsets = [0, 6], sizes = [128, 1], strides = [1, 1]} : vector<128x26xi32> to vector<128x1xi32>
    %sub3A_64 = arith.constant 1 : i32
    %sub3A_65 = vector.broadcast %sub3A_64 : i32 to vector<128x1xi32>
    %sub3A_66 = arith.subi %slice3A_63, %sub3A_65 : vector<128x1xi32>
    %eq3A_67 = vector.broadcast %sub3A_66 : vector<128x1xi32> to vector<128x1000xi32>
    %eq3A_68 = arith.cmpi eq, %iota3A, %eq3A_67 : vector<128x1000xi32>
    %convert_element_type3A_69 = arith.extui %eq3A_68 : vector<128x1000xi1> to vector<128x1000xi32>
    %convert_element_type3A_70 = arith.sitofp %convert_element_type3A_69 : vector<128x1000xi32> to vector<128x1000xf32>
    %swap3A_71 = arith.constant 0 : index
    %swap3A_72 = arith.constant 6000 : index
    %swap3A_73 = vector.load %arg2[%swap3A_71, %swap3A_72] : memref<128x26000xf32, #tpu.memory_space<vmem>>, vector<128x1000xf32>
    tpu.vector_store %arg2[%swap3A_71, %swap3A_72], %convert_element_type3A_70 {strides = array<i32>} : memref<128x26000xf32, #tpu.memory_space<vmem>>, vector<128x1000xf32>,
    %slice3A_74 = vector.extract_strided_slice %get3A_1 {offsets = [0, 7], sizes = [128, 1], strides = [1, 1]} : vector<128x26xi32> to vector<128x1xi32>
    %sub3A_75 = arith.constant 1 : i32
    %sub3A_76 = vector.broadcast %sub3A_75 : i32 to vector<128x1xi32>
    %sub3A_77 = arith.subi %slice3A_74, %sub3A_76 : vector<128x1xi32>
    %eq3A_78 = vector.broadcast %sub3A_77 : vector<128x1xi32> to vector<128x1000xi32>
    %eq3A_79 = arith.cmpi eq, %iota3A, %eq3A_78 : vector<128x1000xi32>
    %convert_element_type3A_80 = arith.extui %eq3A_79 : vector<128x1000xi1> to vector<128x1000xi32>
    %convert_element_type3A_81 = arith.sitofp %convert_element_type3A_80 : vector<128x1000xi32> to vector<128x1000xf32>
    %swap3A_82 = arith.constant 0 : index
    %swap3A_83 = arith.constant 7000 : index
    %swap3A_84 = vector.load %arg2[%swap3A_82, %swap3A_83] : memref<128x26000xf32, #tpu.memory_space<vmem>>, vector<128x1000xf32>
    tpu.vector_store %arg2[%swap3A_82, %swap3A_83], %convert_element_type3A_81 {strides = array<i32>} : memref<128x26000xf32, #tpu.memory_space<vmem>>, vector<128x1000xf32>,
    %slice3A_85 = vector.extract_strided_slice %get3A_1 {offsets = [0, 8], sizes = [128, 1], strides = [1, 1]} : vector<128x26xi32> to vector<128x1xi32>
    %sub3A_86 = arith.constant 1 : i32
    %sub3A_87 = vector.broadcast %sub3A_86 : i32 to vector<128x1xi32>
    %sub3A_88 = arith.subi %slice3A_85, %sub3A_87 : vector<128x1xi32>
    %eq3A_89 = vector.broadcast %sub3A_88 : vector<128x1xi32> to vector<128x1000xi32>
    %eq3A_90 = arith.cmpi eq, %iota3A, %eq3A_89 : vector<128x1000xi32>
    %convert_element_type3A_91 = arith.extui %eq3A_90 : vector<128x1000xi1> to vector<128x1000xi32>
    %convert_element_type3A_92 = arith.sitofp %convert_element_type3A_91 : vector<128x1000xi32> to vector<128x1000xf32>
    %swap3A_93 = arith.constant 0 : index
    %swap3A_94 = arith.constant 8000 : index
    %swap3A_95 = vector.load %arg2[%swap3A_93, %swap3A_94] : memref<128x26000xf32, #tpu.memory_space<vmem>>, vector<128x1000xf32>
    tpu.vector_store %arg2[%swap3A_93, %swap3A_94], %convert_element_type3A_92 {strides = array<i32>} : memref<128x26000xf32, #tpu.memory_space<vmem>>, vector<128x1000xf32>,
    %slice3A_96 = vector.extract_strided_slice %get3A_1 {offsets = [0, 9], sizes = [128, 1], strides = [1, 1]} : vector<128x26xi32> to vector<128x1xi32>
    %sub3A_97 = arith.constant 1 : i32
    %sub3A_98 = vector.broadcast %sub3A_97 : i32 to vector<128x1xi32>
    %sub3A_99 = arith.subi %slice3A_96, %sub3A_98 : vector<128x1xi32>
    %eq3A_100 = vector.broadcast %sub3A_99 : vector<128x1xi32> to vector<128x1000xi32>
    %eq3A_101 = arith.cmpi eq, %iota3A, %eq3A_100 : vector<128x1000xi32>
    %convert_element_type3A_102 = arith.extui %eq3A_101 : vector<128x1000xi1> to vector<128x1000xi32>
    %convert_element_type3A_103 = arith.sitofp %convert_element_type3A_102 : vector<128x1000xi32> to vector<128x1000xf32>
    %swap3A_104 = arith.constant 0 : index
    %swap3A_105 = arith.constant 9000 : index
    %swap3A_106 = vector.load %arg2[%swap3A_104, %swap3A_105] : memref<128x26000xf32, #tpu.memory_space<vmem>>, vector<128x1000xf32>
    tpu.vector_store %arg2[%swap3A_104, %swap3A_105], %convert_element_type3A_103 {strides = array<i32>} : memref<128x26000xf32, #tpu.memory_space<vmem>>, vector<128x1000xf32>,
    %slice3A_107 = vector.extract_strided_slice %get3A_1 {offsets = [0, 10], sizes = [128, 1], strides = [1, 1]} : vector<128x26xi32> to vector<128x1xi32>
    %sub3A_108 = arith.constant 1 : i32
    %sub3A_109 = vector.broadcast %sub3A_108 : i32 to vector<128x1xi32>
    %sub3A_110 = arith.subi %slice3A_107, %sub3A_109 : vector<128x1xi32>
    %eq3A_111 = vector.broadcast %sub3A_110 : vector<128x1xi32> to vector<128x1000xi32>
    %eq3A_112 = arith.cmpi eq, %iota3A, %eq3A_111 : vector<128x1000xi32>
    %convert_element_type3A_113 = arith.extui %eq3A_112 : vector<128x1000xi1> to vector<128x1000xi32>
    %convert_element_type3A_114 = arith.sitofp %convert_element_type3A_113 : vector<128x1000xi32> to vector<128x1000xf32>
    %swap3A_115 = arith.constant 0 : index
    %swap3A_116 = arith.constant 10000 : index
    %swap3A_117 = vector.load %arg2[%swap3A_115, %swap3A_116] : memref<128x26000xf32, #tpu.memory_space<vmem>>, vector<128x1000xf32>
    tpu.vector_store %arg2[%swap3A_115, %swap3A_116], %convert_element_type3A_114 {strides = array<i32>} : memref<128x26000xf32, #tpu.memory_space<vmem>>, vector<128x1000xf32>,
    %slice3A_118 = vector.extract_strided_slice %get3A_1 {offsets = [0, 11], sizes = [128, 1], strides = [1, 1]} : vector<128x26xi32> to vector<128x1xi32>
    %sub3A_119 = arith.constant 1 : i32
    %sub3A_120 = vector.broadcast %sub3A_119 : i32 to vector<128x1xi32>
    %sub3A_121 = arith.subi %slice3A_118, %sub3A_120 : vector<128x1xi32>
    %eq3A_122 = vector.broadcast %sub3A_121 : vector<128x1xi32> to vector<128x1000xi32>
    %eq3A_123 = arith.cmpi eq, %iota3A, %eq3A_122 : vector<128x1000xi32>
    %convert_element_type3A_124 = arith.extui %eq3A_123 : vector<128x1000xi1> to vector<128x1000xi32>
    %convert_element_type3A_125 = arith.sitofp %convert_element_type3A_124 : vector<128x1000xi32> to vector<128x1000xf32>
    %swap3A_126 = arith.constant 0 : index
    %swap3A_127 = arith.constant 11000 : index
    %swap3A_128 = vector.load %arg2[%swap3A_126, %swap3A_127] : memref<128x26000xf32, #tpu.memory_space<vmem>>, vector<128x1000xf32>
    tpu.vector_store %arg2[%swap3A_126, %swap3A_127], %convert_element_type3A_125 {strides = array<i32>} : memref<128x26000xf32, #tpu.memory_space<vmem>>, vector<128x1000xf32>,
    %slice3A_129 = vector.extract_strided_slice %get3A_1 {offsets = [0, 12], sizes = [128, 1], strides = [1, 1]} : vector<128x26xi32> to vector<128x1xi32>
    %sub3A_130 = arith.constant 1 : i32
    %sub3A_131 = vector.broadcast %sub3A_130 : i32 to vector<128x1xi32>
    %sub3A_132 = arith.subi %slice3A_129, %sub3A_131 : vector<128x1xi32>
    %eq3A_133 = vector.broadcast %sub3A_132 : vector<128x1xi32> to vector<128x1000xi32>
    %eq3A_134 = arith.cmpi eq, %iota3A, %eq3A_133 : vector<128x1000xi32>
    %convert_element_type3A_135 = arith.extui %eq3A_134 : vector<128x1000xi1> to vector<128x1000xi32>
    %convert_element_type3A_136 = arith.sitofp %convert_element_type3A_135 : vector<128x1000xi32> to vector<128x1000xf32>
    %swap3A_137 = arith.constant 0 : index
    %swap3A_138 = arith.constant 12000 : index
    %swap3A_139 = vector.load %arg2[%swap3A_137, %swap3A_138] : memref<128x26000xf32, #tpu.memory_space<vmem>>, vector<128x1000xf32>
    tpu.vector_store %arg2[%swap3A_137, %swap3A_138], %convert_element_type3A_136 {strides = array<i32>} : memref<128x26000xf32, #tpu.memory_space<vmem>>, vector<128x1000xf32>,
    %slice3A_140 = vector.extract_strided_slice %get3A_1 {offsets = [0, 13], sizes = [128, 1], strides = [1, 1]} : vector<128x26xi32> to vector<128x1xi32>
    %sub3A_141 = arith.constant 1 : i32
    %sub3A_142 = vector.broadcast %sub3A_141 : i32 to vector<128x1xi32>
    %sub3A_143 = arith.subi %slice3A_140, %sub3A_142 : vector<128x1xi32>
    %eq3A_144 = vector.broadcast %sub3A_143 : vector<128x1xi32> to vector<128x1000xi32>
    %eq3A_145 = arith.cmpi eq, %iota3A, %eq3A_144 : vector<128x1000xi32>
    %convert_element_type3A_146 = arith.extui %eq3A_145 : vector<128x1000xi1> to vector<128x1000xi32>
    %convert_element_type3A_147 = arith.sitofp %convert_element_type3A_146 : vector<128x1000xi32> to vector<128x1000xf32>
    %swap3A_148 = arith.constant 0 : index
    %swap3A_149 = arith.constant 13000 : index
    %swap3A_150 = vector.load %arg2[%swap3A_148, %swap3A_149] : memref<128x26000xf32, #tpu.memory_space<vmem>>, vector<128x1000xf32>
    tpu.vector_store %arg2[%swap3A_148, %swap3A_149], %convert_element_type3A_147 {strides = array<i32>} : memref<128x26000xf32, #tpu.memory_space<vmem>>, vector<128x1000xf32>,
    %slice3A_151 = vector.extract_strided_slice %get3A_1 {offsets = [0, 14], sizes = [128, 1], strides = [1, 1]} : vector<128x26xi32> to vector<128x1xi32>
    %sub3A_152 = arith.constant 1 : i32
    %sub3A_153 = vector.broadcast %sub3A_152 : i32 to vector<128x1xi32>
    %sub3A_154 = arith.subi %slice3A_151, %sub3A_153 : vector<128x1xi32>
    %eq3A_155 = vector.broadcast %sub3A_154 : vector<128x1xi32> to vector<128x1000xi32>
    %eq3A_156 = arith.cmpi eq, %iota3A, %eq3A_155 : vector<128x1000xi32>
    %convert_element_type3A_157 = arith.extui %eq3A_156 : vector<128x1000xi1> to vector<128x1000xi32>
    %convert_element_type3A_158 = arith.sitofp %convert_element_type3A_157 : vector<128x1000xi32> to vector<128x1000xf32>
    %swap3A_159 = arith.constant 0 : index
    %swap3A_160 = arith.constant 14000 : index
    %swap3A_161 = vector.load %arg2[%swap3A_159, %swap3A_160] : memref<128x26000xf32, #tpu.memory_space<vmem>>, vector<128x1000xf32>
    tpu.vector_store %arg2[%swap3A_159, %swap3A_160], %convert_element_type3A_158 {strides = array<i32>} : memref<128x26000xf32, #tpu.memory_space<vmem>>, vector<128x1000xf32>,
    %slice3A_162 = vector.extract_strided_slice %get3A_1 {offsets = [0, 15], sizes = [128, 1], strides = [1, 1]} : vector<128x26xi32> to vector<128x1xi32>
    %sub3A_163 = arith.constant 1 : i32
    %sub3A_164 = vector.broadcast %sub3A_163 : i32 to vector<128x1xi32>
    %sub3A_165 = arith.subi %slice3A_162, %sub3A_164 : vector<128x1xi32>
    %eq3A_166 = vector.broadcast %sub3A_165 : vector<128x1xi32> to vector<128x1000xi32>
    %eq3A_167 = arith.cmpi eq, %iota3A, %eq3A_166 : vector<128x1000xi32>
    %convert_element_type3A_168 = arith.extui %eq3A_167 : vector<128x1000xi1> to vector<128x1000xi32>
    %convert_element_type3A_169 = arith.sitofp %convert_element_type3A_168 : vector<128x1000xi32> to vector<128x1000xf32>
    %swap3A_170 = arith.constant 0 : index
    %swap3A_171 = arith.constant 15000 : index
    %swap3A_172 = vector.load %arg2[%swap3A_170, %swap3A_171] : memref<128x26000xf32, #tpu.memory_space<vmem>>, vector<128x1000xf32>
    tpu.vector_store %arg2[%swap3A_170, %swap3A_171], %convert_element_type3A_169 {strides = array<i32>} : memref<128x26000xf32, #tpu.memory_space<vmem>>, vector<128x1000xf32>,
    %slice3A_173 = vector.extract_strided_slice %get3A_1 {offsets = [0, 16], sizes = [128, 1], strides = [1, 1]} : vector<128x26xi32> to vector<128x1xi32>
    %sub3A_174 = arith.constant 1 : i32
    %sub3A_175 = vector.broadcast %sub3A_174 : i32 to vector<128x1xi32>
    %sub3A_176 = arith.subi %slice3A_173, %sub3A_175 : vector<128x1xi32>
    %eq3A_177 = vector.broadcast %sub3A_176 : vector<128x1xi32> to vector<128x1000xi32>
    %eq3A_178 = arith.cmpi eq, %iota3A, %eq3A_177 : vector<128x1000xi32>
    %convert_element_type3A_179 = arith.extui %eq3A_178 : vector<128x1000xi1> to vector<128x1000xi32>
    %convert_element_type3A_180 = arith.sitofp %convert_element_type3A_179 : vector<128x1000xi32> to vector<128x1000xf32>
    %swap3A_181 = arith.constant 0 : index
    %swap3A_182 = arith.constant 16000 : index
    %swap3A_183 = vector.load %arg2[%swap3A_181, %swap3A_182] : memref<128x26000xf32, #tpu.memory_space<vmem>>, vector<128x1000xf32>
    tpu.vector_store %arg2[%swap3A_181, %swap3A_182], %convert_element_type3A_180 {strides = array<i32>} : memref<128x26000xf32, #tpu.memory_space<vmem>>, vector<128x1000xf32>,
    %slice3A_184 = vector.extract_strided_slice %get3A_1 {offsets = [0, 17], sizes = [128, 1], strides = [1, 1]} : vector<128x26xi32> to vector<128x1xi32>
    %sub3A_185 = arith.constant 1 : i32
    %sub3A_186 = vector.broadcast %sub3A_185 : i32 to vector<128x1xi32>
    %sub3A_187 = arith.subi %slice3A_184, %sub3A_186 : vector<128x1xi32>
    %eq3A_188 = vector.broadcast %sub3A_187 : vector<128x1xi32> to vector<128x1000xi32>
    %eq3A_189 = arith.cmpi eq, %iota3A, %eq3A_188 : vector<128x1000xi32>
    %convert_element_type3A_190 = arith.extui %eq3A_189 : vector<128x1000xi1> to vector<128x1000xi32>
    %convert_element_type3A_191 = arith.sitofp %convert_element_type3A_190 : vector<128x1000xi32> to vector<128x1000xf32>
    %swap3A_192 = arith.constant 0 : index
    %swap3A_193 = arith.constant 17000 : index
    %swap3A_194 = vector.load %arg2[%swap3A_192, %swap3A_193] : memref<128x26000xf32, #tpu.memory_space<vmem>>, vector<128x1000xf32>
    tpu.vector_store %arg2[%swap3A_192, %swap3A_193], %convert_element_type3A_191 {strides = array<i32>} : memref<128x26000xf32, #tpu.memory_space<vmem>>, vector<128x1000xf32>,
    %slice3A_195 = vector.extract_strided_slice %get3A_1 {offsets = [0, 18], sizes = [128, 1], strides = [1, 1]} : vector<128x26xi32> to vector<128x1xi32>
    %sub3A_196 = arith.constant 1 : i32
    %sub3A_197 = vector.broadcast %sub3A_196 : i32 to vector<128x1xi32>
    %sub3A_198 = arith.subi %slice3A_195, %sub3A_197 : vector<128x1xi32>
    %eq3A_199 = vector.broadcast %sub3A_198 : vector<128x1xi32> to vector<128x1000xi32>
    %eq3A_200 = arith.cmpi eq, %iota3A, %eq3A_199 : vector<128x1000xi32>
    %convert_element_type3A_201 = arith.extui %eq3A_200 : vector<128x1000xi1> to vector<128x1000xi32>
    %convert_element_type3A_202 = arith.sitofp %convert_element_type3A_201 : vector<128x1000xi32> to vector<128x1000xf32>
    %swap3A_203 = arith.constant 0 : index
    %swap3A_204 = arith.constant 18000 : index
    %swap3A_205 = vector.load %arg2[%swap3A_203, %swap3A_204] : memref<128x26000xf32, #tpu.memory_space<vmem>>, vector<128x1000xf32>
    tpu.vector_store %arg2[%swap3A_203, %swap3A_204], %convert_element_type3A_202 {strides = array<i32>} : memref<128x26000xf32, #tpu.memory_space<vmem>>, vector<128x1000xf32>,
    %slice3A_206 = vector.extract_strided_slice %get3A_1 {offsets = [0, 19], sizes = [128, 1], strides = [1, 1]} : vector<128x26xi32> to vector<128x1xi32>
    %sub3A_207 = arith.constant 1 : i32
    %sub3A_208 = vector.broadcast %sub3A_207 : i32 to vector<128x1xi32>
    %sub3A_209 = arith.subi %slice3A_206, %sub3A_208 : vector<128x1xi32>
    %eq3A_210 = vector.broadcast %sub3A_209 : vector<128x1xi32> to vector<128x1000xi32>
    %eq3A_211 = arith.cmpi eq, %iota3A, %eq3A_210 : vector<128x1000xi32>
    %convert_element_type3A_212 = arith.extui %eq3A_211 : vector<128x1000xi1> to vector<128x1000xi32>
    %convert_element_type3A_213 = arith.sitofp %convert_element_type3A_212 : vector<128x1000xi32> to vector<128x1000xf32>
    %swap3A_214 = arith.constant 0 : index
    %swap3A_215 = arith.constant 19000 : index
    %swap3A_216 = vector.load %arg2[%swap3A_214, %swap3A_215] : memref<128x26000xf32, #tpu.memory_space<vmem>>, vector<128x1000xf32>
    tpu.vector_store %arg2[%swap3A_214, %swap3A_215], %convert_element_type3A_213 {strides = array<i32>} : memref<128x26000xf32, #tpu.memory_space<vmem>>, vector<128x1000xf32>,
    %slice3A_217 = vector.extract_strided_slice %get3A_1 {offsets = [0, 20], sizes = [128, 1], strides = [1, 1]} : vector<128x26xi32> to vector<128x1xi32>
    %sub3A_218 = arith.constant 1 : i32
    %sub3A_219 = vector.broadcast %sub3A_218 : i32 to vector<128x1xi32>
    %sub3A_220 = arith.subi %slice3A_217, %sub3A_219 : vector<128x1xi32>
    %eq3A_221 = vector.broadcast %sub3A_220 : vector<128x1xi32> to vector<128x1000xi32>
    %eq3A_222 = arith.cmpi eq, %iota3A, %eq3A_221 : vector<128x1000xi32>
    %convert_element_type3A_223 = arith.extui %eq3A_222 : vector<128x1000xi1> to vector<128x1000xi32>
    %convert_element_type3A_224 = arith.sitofp %convert_element_type3A_223 : vector<128x1000xi32> to vector<128x1000xf32>
    %swap3A_225 = arith.constant 0 : index
    %swap3A_226 = arith.constant 20000 : index
    %swap3A_227 = vector.load %arg2[%swap3A_225, %swap3A_226] : memref<128x26000xf32, #tpu.memory_space<vmem>>, vector<128x1000xf32>
    tpu.vector_store %arg2[%swap3A_225, %swap3A_226], %convert_element_type3A_224 {strides = array<i32>} : memref<128x26000xf32, #tpu.memory_space<vmem>>, vector<128x1000xf32>,
    %slice3A_228 = vector.extract_strided_slice %get3A_1 {offsets = [0, 21], sizes = [128, 1], strides = [1, 1]} : vector<128x26xi32> to vector<128x1xi32>
    %sub3A_229 = arith.constant 1 : i32
    %sub3A_230 = vector.broadcast %sub3A_229 : i32 to vector<128x1xi32>
    %sub3A_231 = arith.subi %slice3A_228, %sub3A_230 : vector<128x1xi32>
    %eq3A_232 = vector.broadcast %sub3A_231 : vector<128x1xi32> to vector<128x1000xi32>
    %eq3A_233 = arith.cmpi eq, %iota3A, %eq3A_232 : vector<128x1000xi32>
    %convert_element_type3A_234 = arith.extui %eq3A_233 : vector<128x1000xi1> to vector<128x1000xi32>
    %convert_element_type3A_235 = arith.sitofp %convert_element_type3A_234 : vector<128x1000xi32> to vector<128x1000xf32>
    %swap3A_236 = arith.constant 0 : index
    %swap3A_237 = arith.constant 21000 : index
    %swap3A_238 = vector.load %arg2[%swap3A_236, %swap3A_237] : memref<128x26000xf32, #tpu.memory_space<vmem>>, vector<128x1000xf32>
    tpu.vector_store %arg2[%swap3A_236, %swap3A_237], %convert_element_type3A_235 {strides = array<i32>} : memref<128x26000xf32, #tpu.memory_space<vmem>>, vector<128x1000xf32>,
    %slice3A_239 = vector.extract_strided_slice %get3A_1 {offsets = [0, 22], sizes = [128, 1], strides = [1, 1]} : vector<128x26xi32> to vector<128x1xi32>
    %sub3A_240 = arith.constant 1 : i32
    %sub3A_241 = vector.broadcast %sub3A_240 : i32 to vector<128x1xi32>
    %sub3A_242 = arith.subi %slice3A_239, %sub3A_241 : vector<128x1xi32>
    %eq3A_243 = vector.broadcast %sub3A_242 : vector<128x1xi32> to vector<128x1000xi32>
    %eq3A_244 = arith.cmpi eq, %iota3A, %eq3A_243 : vector<128x1000xi32>
    %convert_element_type3A_245 = arith.extui %eq3A_244 : vector<128x1000xi1> to vector<128x1000xi32>
    %convert_element_type3A_246 = arith.sitofp %convert_element_type3A_245 : vector<128x1000xi32> to vector<128x1000xf32>
    %swap3A_247 = arith.constant 0 : index
    %swap3A_248 = arith.constant 22000 : index
    %swap3A_249 = vector.load %arg2[%swap3A_247, %swap3A_248] : memref<128x26000xf32, #tpu.memory_space<vmem>>, vector<128x1000xf32>
    tpu.vector_store %arg2[%swap3A_247, %swap3A_248], %convert_element_type3A_246 {strides = array<i32>} : memref<128x26000xf32, #tpu.memory_space<vmem>>, vector<128x1000xf32>,
    %slice3A_250 = vector.extract_strided_slice %get3A_1 {offsets = [0, 23], sizes = [128, 1], strides = [1, 1]} : vector<128x26xi32> to vector<128x1xi32>
    %sub3A_251 = arith.constant 1 : i32
    %sub3A_252 = vector.broadcast %sub3A_251 : i32 to vector<128x1xi32>
    %sub3A_253 = arith.subi %slice3A_250, %sub3A_252 : vector<128x1xi32>
    %eq3A_254 = vector.broadcast %sub3A_253 : vector<128x1xi32> to vector<128x1000xi32>
    %eq3A_255 = arith.cmpi eq, %iota3A, %eq3A_254 : vector<128x1000xi32>
    %convert_element_type3A_256 = arith.extui %eq3A_255 : vector<128x1000xi1> to vector<128x1000xi32>
    %convert_element_type3A_257 = arith.sitofp %convert_element_type3A_256 : vector<128x1000xi32> to vector<128x1000xf32>
    %swap3A_258 = arith.constant 0 : index
    %swap3A_259 = arith.constant 23000 : index
    %swap3A_260 = vector.load %arg2[%swap3A_258, %swap3A_259] : memref<128x26000xf32, #tpu.memory_space<vmem>>, vector<128x1000xf32>
    tpu.vector_store %arg2[%swap3A_258, %swap3A_259], %convert_element_type3A_257 {strides = array<i32>} : memref<128x26000xf32, #tpu.memory_space<vmem>>, vector<128x1000xf32>,
    %slice3A_261 = vector.extract_strided_slice %get3A_1 {offsets = [0, 24], sizes = [128, 1], strides = [1, 1]} : vector<128x26xi32> to vector<128x1xi32>
    %sub3A_262 = arith.constant 1 : i32
    %sub3A_263 = vector.broadcast %sub3A_262 : i32 to vector<128x1xi32>
    %sub3A_264 = arith.subi %slice3A_261, %sub3A_263 : vector<128x1xi32>
    %eq3A_265 = vector.broadcast %sub3A_264 : vector<128x1xi32> to vector<128x1000xi32>
    %eq3A_266 = arith.cmpi eq, %iota3A, %eq3A_265 : vector<128x1000xi32>
    %convert_element_type3A_267 = arith.extui %eq3A_266 : vector<128x1000xi1> to vector<128x1000xi32>
    %convert_element_type3A_268 = arith.sitofp %convert_element_type3A_267 : vector<128x1000xi32> to vector<128x1000xf32>
    %swap3A_269 = arith.constant 0 : index
    %swap3A_270 = arith.constant 24000 : index
    %swap3A_271 = vector.load %arg2[%swap3A_269, %swap3A_270] : memref<128x26000xf32, #tpu.memory_space<vmem>>, vector<128x1000xf32>
    tpu.vector_store %arg2[%swap3A_269, %swap3A_270], %convert_element_type3A_268 {strides = array<i32>} : memref<128x26000xf32, #tpu.memory_space<vmem>>, vector<128x1000xf32>,
    %slice3A_272 = vector.extract_strided_slice %get3A_1 {offsets = [0, 25], sizes = [128, 1], strides = [1, 1]} : vector<128x26xi32> to vector<128x1xi32>
    %sub3A_273 = arith.constant 1 : i32
    %sub3A_274 = vector.broadcast %sub3A_273 : i32 to vector<128x1xi32>
    %sub3A_275 = arith.subi %slice3A_272, %sub3A_274 : vector<128x1xi32>
    %eq3A_276 = vector.broadcast %sub3A_275 : vector<128x1xi32> to vector<128x1000xi32>
    %eq3A_277 = arith.cmpi eq, %iota3A, %eq3A_276 : vector<128x1000xi32>
    %convert_element_type3A_278 = arith.extui %eq3A_277 : vector<128x1000xi1> to vector<128x1000xi32>
    %convert_element_type3A_279 = arith.sitofp %convert_element_type3A_278 : vector<128x1000xi32> to vector<128x1000xf32>
    %swap3A_280 = arith.constant 0 : index
    %swap3A_281 = arith.constant 25000 : index
    %swap3A_282 = vector.load %arg2[%swap3A_280, %swap3A_281] : memref<128x26000xf32, #tpu.memory_space<vmem>>, vector<128x1000xf32>
    tpu.vector_store %arg2[%swap3A_280, %swap3A_281], %convert_element_type3A_279 {strides = array<i32>} : memref<128x26000xf32, #tpu.memory_space<vmem>>, vector<128x1000xf32>,
    return
  }
  func.func @transform_0(%arg0: i32) -> (i32, i32) {
    %c0_i32 = arith.constant 0 : i32
    %c0_i32_0 = arith.constant 0 : i32
    return %arg0, %c0_i32 : i32, i32
  }
  func.func @transform_1(%arg0: i32) -> (i32, i32) {
    %c0_i32 = arith.constant 0 : i32
    %c0_i32_0 = arith.constant 0 : i32
    return %arg0, %c0_i32 : i32, i32
  }
}

</mosaic_0001>

<sc_bundles>
// kernel: kernel.4.cloned.1.call-start
scs
__scs_entry_jumppad:
0x0: {  	(pc) =	sbr.rel $0x88, $3  }
0x1: {  	(tag) =	ssettag $0x0;
	lr =	simm.s32 $0x1  }
0x2: {  	[smem:$0x3F9F] =	sst lr;
	_ =	strace $0xD0000000  }
0x3: {  	_ = 	snop  }
0x4: {  	_ = 	snop  }
0x5: {  	_ = 	snop  }
0x6: {  	_ = 	snop  }
0x7: {  	_ = 	snop  }
__scs_overlays_trampoline_lowered:
0x8: {  	[smem:$0x3FAE] =	sst s0  }
0x9: {  	[smem:$0x3FAF] =	sst s1  }
0xa: {  	[smem:$0x3FB0] =	sst s2  }
0xb: {  	[smem:$0x3FB1] =	sst s3  }
0xc: {  	[smem:$0x3FB2] =	sst s4  }
0xd: {  	[smem:$0x3FB3] =	sst s5  }
0xe: {  	[smem:$0x3FB4] =	sst s6  }
0xf: {  	[smem:$0x3FB5] =	sst s7  }
0x10: {  	[smem:$0x3FB6] =	sst s8  }
0x11: {  	[smem:$0x3FB7] =	sst s9;
	s0 =	simm.s32 @!p0 $0x0  }
0x12: {  	s1 =	sld [smem:$0x3F9D];
	s0 =	simm.s32 @p0 $0x1  }
0x13: {  	[smem:$0x3FB8] =	sst s0;
	s0 =	simm.s32 @!p1 $0x0  }
0x14: {  	s2 =	sld [smem:$0x3F9C];
	s0 =	simm.s32 @p1 $0x1  }
0x15: {  	[smem:$0x3FB9] =	sst s0;
	s0 =	simm.s32 @!p2 $0x0  }
0x16: {  	s3 =	sld [smem:$0x3FDB];
	s0 =	simm.s32 @p2 $0x1  }
0x17: {  	s4 =	simm.s32 $0x1BF5;
	[smem:$0x3FBB] =	sst s0  }
0x18: {  	s0 =	sld [smem:$0x3F9E];
	_ =	swait.ge [sflag:s4], $0x0  }
0x19: {  	s7 =	sld [smem:$0x3F9F]  }
0x1a: {  	s8 =	sadd.s32 $0xFFFFE003, lr  }
0x1b: {  	s9 =	sadd.s32 $0xFFFFFEF7, lr;
	s5 =	simm.s32 $0xFFFFFFFF;
	p2 =	slt.u32 s8, $0xFFFFF086  }
0x1c: {  	p1 =	slt.u32 s9, $0xF7A;
	s5 =	simm.s32 @!p2 $0x0  }
0x1d: {  	s5 =	simm.s32 @p1 $0x1;
	p0 =	seq.s32 s7, s2  }
0x1e: {  	s7 =	smul.u32 @!p0 $0xF7A, s2;
	p2 =	seq.s32 @!p0 s5, $0x0  }
0x1f: {  	s9 =	smul.u32 $0xF7A, s1;
	s8 =	simm.s32 @!p0 $0x1BF5;
	p2 =	por !p2, p0  }
0x20: {  	[sflag:s8] =	ssyncset.s32 @!p0 $0xFFFFF086;
	s6 =	sadd.s32 @!p0 s3, s7;
	s7 =	simm.s32 @!p0 $0x108  }
0x21: {  	s3 =	sadd.s32 s3, s9;
	s6 =	sadd.s32 @!p0 $0x88, s6;
	s7 =	simm.s32 @p2 $0x1082  }
0x22: {  	[simem:s7], [sflag:s8] =	dma.local @!p0 [hbm:s6], $0xF7A  }
0x23: {  	s9 =	sor.u32 $0xD0000000, s2;
	s6 =	simm.s32 $0x108;
	_ =	swait.ge @!p0 [sflag:s8], $0x0  }
0x24: {  	s3 =	sadd.s32 $0x88, s3;
	s6 =	simm.s32 @!p1 $0x1082;
	[sflag:s4] =	ssyncset.s32 $0xFFFFF086  }
0x25: {  	[simem:s6], [sflag:s4] =	dma.local [hbm:s3], $0xF7A  }
0x26: {  	[smem:$0x3F9F] =	sst s1;
	(tag) =	ssettag s2;
	_ =	strace s9  }
0x27: {  	s1 =	sld [smem:$0x3FAF]  }
0x28: {  	s2 =	sld [smem:$0x3FB0]  }
0x29: {  	s4 =	sld [smem:$0x3FB2]  }
0x2a: {  	p0 =	seq.s32 s5, $0x0;
	s5 =	sld [smem:$0x3FB3]  }
0x2b: {  	s6 =	sld [smem:$0x3FB4]  }
0x2c: {  	s7 =	sld [smem:$0x3FB5]  }
0x2d: {  	s3 =	simm.s32 $0x108;
	s8 =	sld [smem:$0x3FB6]  }
0x2e: {  	s3 =	simm.s32 @!p0 $0x1082;
	s9 =	sld [smem:$0x3FB7]  }
0x2f: {  	lr =	sadd.s32 s0, s3;
	s0 =	sld [smem:$0x3FAE]  }
0x30: {  	s3 =	sld [smem:$0x3FB1]  }
0x31: {  	[smem:$0x3FBA] =	sst s10  }
0x32: {  	s10 =	sld [smem:$0x3FB8];
	_ =	sdelay $0x3  }
0x33: {  	p0 =	seq.s32 s10, $0x1;
	s10 =	sld [smem:$0x3FBA];
	_ =	sdelay $0x3  }
0x34: {  	[smem:$0x3FBA] =	sst s10  }
0x35: {  	s10 =	sld [smem:$0x3FB9];
	_ =	sdelay $0x3  }
0x36: {  	p1 =	seq.s32 s10, $0x1;
	s10 =	sld [smem:$0x3FBA];
	_ =	sdelay $0x3  }
0x37: {  	[smem:$0x3FBA] =	sst s10  }
0x38: {  	s10 =	sld [smem:$0x3FBB]  }
0x39: {  	_ = 	snop;
	(pc) =	sbr.ind lr, $3  }
0x3a: {  	_ = 	snop  }
0x3b: {  	_ = 	snop  }
0x3c: {  	p2 =	seq.s32 s10, $0x1;
	s10 =	sld [smem:$0x3FBA]  }
0x3d: {  	_ =	shalt  }
0x3e: {  	_ =	shalt  }
0x3f: {  	_ =	shalt  }
0x40: {  	_ =	shalt  }
0x41: {  	_ =	shalt  }
0x42: {  	_ =	shalt  }
0x43: {  	_ =	shalt  }
0x44: {  	_ =	shalt  }
0x45: {  	_ =	shalt  }
0x46: {  	_ =	shalt  }
0x47: {  	_ =	shalt  }
0x48: {  	_ =	shalt  }
0x49: {  	_ =	shalt  }
0x4a: {  	_ =	shalt  }
0x4b: {  	_ =	shalt  }
0x4c: {  	_ =	shalt  }
0x4d: {  	_ =	shalt  }
0x4e: {  	_ =	shalt  }
0x4f: {  	_ =	shalt  }
0x50: {  	_ =	shalt  }
0x51: {  	_ =	shalt  }
0x52: {  	_ =	shalt  }
0x53: {  	_ =	shalt  }
0x54: {  	_ =	shalt  }
0x55: {  	_ =	shalt  }
0x56: {  	_ =	shalt  }
0x57: {  	_ =	shalt  }
0x58: {  	_ =	shalt  }
0x59: {  	_ =	shalt  }
0x5a: {  	_ =	shalt  }
0x5b: {  	_ =	shalt  }
0x5c: {  	_ =	shalt  }
0x5d: {  	_ =	shalt  }
0x5e: {  	_ =	shalt  }
0x5f: {  	_ =	shalt  }
0x60: {  	_ =	shalt  }
0x61: {  	_ =	shalt  }
0x62: {  	_ =	shalt  }
0x63: {  	_ =	shalt  }
0x64: {  	_ =	shalt  }
0x65: {  	_ =	shalt  }
0x66: {  	_ =	shalt  }
0x67: {  	_ =	shalt  }
0x68: {  	_ =	shalt  }
0x69: {  	_ =	shalt  }
0x6a: {  	_ =	shalt  }
0x6b: {  	_ =	shalt  }
0x6c: {  	_ =	shalt  }
0x6d: {  	_ =	shalt  }
0x6e: {  	_ =	shalt  }
0x6f: {  	_ =	shalt  }
0x70: {  	_ =	shalt  }
0x71: {  	_ =	shalt  }
0x72: {  	_ =	shalt  }
0x73: {  	_ =	shalt  }
0x74: {  	_ =	shalt  }
0x75: {  	_ =	shalt  }
0x76: {  	_ =	shalt  }
0x77: {  	_ =	shalt  }
0x78: {  	_ =	shalt  }
0x79: {  	_ =	shalt  }
0x7a: {  	_ =	shalt  }
0x7b: {  	_ =	shalt  }
0x7c: {  	_ =	shalt  }
0x7d: {  	_ =	shalt  }
0x7e: {  	_ =	shalt  }
0x7f: {  	_ =	shalt  }
0x80: {  	_ =	shalt  }
0x81: {  	_ =	shalt  }
0x82: {  	_ =	shalt  }
0x83: {  	_ =	shalt  }
0x84: {  	_ =	shalt  }
0x85: {  	_ =	shalt  }
0x86: {  	_ =	shalt  }
0x87: {  	_ =	shalt  }
.Lfunc_end0:
.L_simem_size_0:
called_computation.1_lowered:
.L_overlay_start_0:
0x88: {  	s2 =	sld [smem:$0x3FD9]  }
0x89: {  	s3 =	sld [smem:$0x3FFE];
	_ =	sdelay $0x1  }
0x8a: {  	s1 =	srdreg.scid  }
0x8b: {  	s0 =	sand.u32 $0x1, s1  }
0x8c: {  	s14 =	sshll.u32 s0, $0xA;
	s2 =	sadd.s32 s3, s2  }
0x8d: {  	s2 =	sadd.s32 s2, s14  }
0x8e: {  	[smem:$0x3FC6] =	sst s2  }
0x8f: {  	_ = 	snop  }
0x90: {  	s2 =	sld [smem:$0x3FD0];
	_ =	sdelay $0x2  }
0x91: {  	s15 =	simm.s32 $0xA;
	s4 =	simm.s32 $0x10  }
0x92: {  	[smem:s4], [sflag:s15] =	dma.local [hbm:s2], $0x1  }
0x93: {  	_ =	swait.eq [sflag:s15], $0x1  }
0x94: {  	[sflag:s15] =	ssyncset.done $0x0  }
0x95: {  	s16 =	sld [smem:$0x10];
	[sflag:s15] =	ssyncadd.s32 $0xFFFFFFFF  }
0x96: {  	s17 =	sld [smem:$0x11];
	(tm) =	ssettm $0x1  }
0x97: {  	s18 =	sld [smem:$0x3FFB];
	_ =	sdelay $0x3  }
0x98: {  	_ =	strace s18  }
0x99: {  	s4 =	sld [smem:$0x3FFC];
	_ =	sdelay $0x3  }
0x9a: {  	_ =	strace s4  }
0x9b: {  	s4 =	sld [smem:$0x3FFD];
	_ =	sdelay $0x3  }
0x9c: {  	_ =	strace s4  }
0x9d: {  	_ =	strace $0x8FFFFFFF  }
0x9e: {  	s19 =	sld [smem:$0x3FDB];
	_ =	sdelay $0x1  }
0x9f: {  	s5 =	simm.s32 $_scs_section_size  }
0xa0: {  	s6 =	simm.s32 $_size__tile_overlayer_lowered;
	s7 =	simm.s32 $_tile_overlayer_lowered  }
0xa1: {  	s22 =	simm.s32 $0x1BFF;
	s21 =	sshll.u32 s7, $0x1;
	s4 =	sadd.s32 s5, s19  }
0xa2: {  	s8 =	simm.s32 $0x0;
	s20 =	sshll.u32 s6, $0x1;
	s6 =	sadd.s32 s21, s4  }
0xa3: {  	[timem:s8], [sflag:s22] =	dma.local [hbm:s6], s20  }
0xa4: {  	_ =	swait.ge [sflag:s22], s20  }
0xa5: {  	s5 =	ssub.s32 $0x0, s20;
	[sflag:s22] =	ssyncset.done $0x0  }
0xa6: {  	[sflag:s22] =	ssyncadd.s32 s5;
	_ =	sdelay $0x1  }
0xa7: {  	s23 =	simm.s32 $0x1B8B  }
0xa8: {  	_ =	swait.ge [sflag:s23], $0x1  }
0xa9: {  	[sflag:s23] =	ssyncset.done $0x0  }
0xaa: {  	s25 =	simm.s32 $0x1B8E;
	s24 =	sld [smem:$0x3FFE];
	[sflag:s23] =	ssyncadd.s32 $0xFFFFFFFF  }
0xab: {  	s26 =	simm.s32 $execute0_lowered;
	[smem:$0x3FD2] =	sst s25  }
0xac: {  	s6 =	sshll.u32 s26, $0x1;
	_ =	strace $0x80000046;
	[dreg:$0x1] =	wrdreg $0xFFFFFFFF  }
0xad: {  	s28 =	simm.s32 $_size_execute0_lowered;
	s4 =	sadd.s32 s4, s6;
	[dreg:$0x0] =	wrdreg $0x0  }
0xae: {  	s6 =	sshll.u32 s28, $0x1;
	[dreg:$0x2] =	wrdreg s4  }
0xaf: {  	[dreg:$0x3] =	wrdreg s6  }
0xb0: {  	[dreg:$0x4] =	wrdreg $0xC0  }
0xb1: {  	_ =	task [dreg:s8], $0x5FFFF  }
0xb2: {  	[dreg:$0x1] =	wrdreg $0xFFFFFFFF  }
0xb3: {  	[dreg:$0x0] =	wrdreg $0x60  }
0xb4: {  	[dreg:$0x2] =	wrdreg s24  }
0xb5: {  	[dreg:$0x3] =	wrdreg s17  }
0xb6: {  	[dreg:$0x4] =	wrdreg s16  }
0xb7: {  	[dreg:$0x5] =	wrdreg $0x9  }
0xb8: {  	_ =	task.clear_ibuf [dreg:s8], $0x6FFFF;
	_ =	strace $0x90000046  }
0xb9: {  	s29 =	simm.s32 $0x9;
	_ =	strace $0x80000048  }
0xba: {  	_ =	swait.ge [sflag:s29], $0x1  }
0xbb: {  	[sflag:s29] =	ssyncadd.s32 $0xFFFFFFFF  }
0xbc: {  	_ =	strace $0x90000048  }
0xbd: {  	_ =	sfence  }
0xbe: {  	s30 =	sld [smem:$0x0];
	_ =	sdelay $0x2  }
0xbf: {  	s31 =	sshll.u32 s1, $0xD;
	s1 =	sshrl.u32 s1, $0x2  }
0xc0: {  	s3 =	sand.u32 $0x4000, s31;
	s1 =	sadd.s32 s1, s30  }
0xc1: {  	s0 =	sor.u32 s3, s0;
	s1 =	sshll.u32 s1, $0x11  }
0xc2: {  	s0 =	sor.u32 s1, s0  }
0xc3: {  	s0 =	sadd.s32 $0x8F2B, s0  }
0xc4: {  	[sflag:s0] =	ssyncadd.remote.s32 $0x1  }
0xc5: {  	_ =	sfence.sel $0xFFFF  }
0xc6: {  	[dreg:$0x0] =	wrdreg $0xFFFFFFFF;
	(pc) =	sbr.abs _section_cstart, $3  }
0xc7: {  	[dreg:$0x1] =	wrdreg $0xFFFFFFFF  }
0xc8: {  	_ =	task.clear_ibuf [dreg:s8], $0x2FFFF;
	_ =	strace $0x9FFFFFFF  }
0xc9: {  	(tm) =	ssettm $0x7FFFFFFF  }
tec
execute0_lowered:
.L_overlay_start_1:
0x0: {  	(tag) =	ssettag $0x1  }
0x1: {  	s4 =	rddreg [dreg:$0x0]  }
0x2: {  	s2 =	rddreg [dreg:$0x1]  }
0x3: {  	s5 =	rddreg [dreg:$0x2]  }
0x4: {  	s0 =	rddreg [dreg:$0x3];
	s1 =	stileid.u32  }
0x5: {  	s6 =	srdreg.scid;
	s7 =	smul.u32 $0x1A00, s1  }
0x6: {  	s3 =	simm.s32 $0x0;
	s6 =	sand.u32 $0x1, s6;
	s10 =	smul.u32 $0xCB200, s1  }
0x7: {  	[smem:$0x7FF] =	sst s3;
	s8 =	smul.u32 $0xD00, s6;
	s9 =	ssub.s32 $0x2, s6  }
0x8: {  	_ =	strace $0x80000047;
	s6 =	smul.u32 $0x65900, s6;
	s31 =	sshrl.u32 s9, $0x1  }
0x9: {  	s5 =	sadd.s32 s10, s5;
	s10 =	simm.s32 $0x0;
	s7 =	sadd.s32 s8, s7  }
0xa: {  	s8 =	ssub.s32 s9, s31;
	s5 =	sadd.s32 s6, s5;
	s7 =	sshrl.u32 s7, $0x3  }
0xb: {  	s9 =	simm.s32 $0x1;
	s7 =	sadd.s32 s7, s4;
	s4 =	smax.u32 s8, $0x1  }
0xc: {  	s8 =	simm.s32 $0x40;
	s6 =	sadd.s32 $0x10C00, s7;
	s7 =	simm.s32 $0x2  }
.LBB2_1:
0xd: {  	s11 =	sadd.s32 $0x0, s6  }
0xe: {  	[tilespmem:s3], [sflag:$0x2] =	stream.linear.gather [hbm4b:s11+s3], $0x40, $0x38;
	[tilespmem:$0xFA40] =	vst v63  }
0xf: {  	_ =	swait.ge [sflag:s7], $0x40  }
0x10: {  	[sflag:s7] =	ssyncset.done $0x0  }
0x11: {  	[sflag:s7] =	ssyncadd.s32 $0xFFFFFFC0  }
0x12: {  	[tilespmem:s8], [sflag:$0x1] =	stream.indirect.gather [hbm4b:s2+s8], $0x3E8, s3, s8, $0xb8;
	[tilespmem:$0xFA40] =	vst v63  }
0x13: {  	_ =	swait.ge [sflag:s9], $0xFA00  }
0x14: {  	[sflag:s9] =	ssyncset.done $0x0  }
0x15: {  	[sflag:s9] =	ssyncadd.s32 $0xFFFF0600  }
0x16: {  	[hbm4b:s5+s3] =	stream.linear.scatter [tilespmem:s8], [sflag:$0x2], $0xFA00, $0x38;
	[tilespmem:$0xFA40] =	vst v63  }
0x17: {  	s12 =	simm.s32 $0x8;
	_ =	swait.ge [sflag:s7], $0xFA00  }
0x18: {  	s13 =	simm.s32 $0x10;
	s11 =	sadd.s32 $0x1F40, s5;
	[sflag:s7] =	ssyncset.done $0x0  }
.LBB2_2:
0x19: {  	s14 =	sadd.s32 s12, s6  }
0x1a: {  	[sflag:s7] =	ssyncadd.s32 $0xFFFF0600;
	s12 =	smov.u32 s13;
	s15 =	sadd.s32 $0x8, s13  }
0x1b: {  	[tilespmem:s3], [sflag:$0x2] =	stream.linear.gather [hbm4b:s14+s3], $0x40, $0x38;
	[tilespmem:$0xFA40] =	vst v63  }
0x1c: {  	p0 =	sne.s32 s13, $0x198;
	_ =	swait.ge [sflag:s7], $0x40  }
0x1d: {  	[sflag:s7] =	ssyncset.done $0x0  }
0x1e: {  	[sflag:s7] =	ssyncadd.s32 $0xFFFFFFC0  }
0x1f: {  	[tilespmem:s8], [sflag:$0x1] =	stream.indirect.gather [hbm4b:s2+s8], $0x3E8, s3, s8, $0xb8;
	[tilespmem:$0xFA40] =	vst v63  }
0x20: {  	_ =	swait.ge [sflag:s9], $0xFA00  }
.Ltmp0:
0x21: {  	[sflag:s9] =	ssyncset.done $0x0;
	(pc) =	sbr.rel @p0 .LBB2_2-.Ltmp0, $4  }
0x22: {  	[sflag:s9] =	ssyncadd.s32 $0xFFFF0600  }
0x23: {  	[hbm4b:s11+s3] =	stream.linear.scatter [tilespmem:s8], [sflag:$0x2], $0xFA00, $0x38;
	[tilespmem:$0xFA40] =	vst v63  }
0x24: {  	_ =	swait.ge [sflag:s7], $0xFA00  }
0x25: {  	s13 =	smov.u32 s15;
	s11 =	sadd.s32 $0x1F40, s11;
	[sflag:s7] =	ssyncset.done $0x0  }
0x26: {  	s12 =	sadd.s32 s12, s6;
	[sflag:s7] =	ssyncadd.s32 $0xFFFF0600  }
0x27: {  	[tilespmem:s3], [sflag:$0x2] =	stream.linear.gather [hbm4b:s12+s3], $0x40, $0x38;
	[tilespmem:$0xFA40] =	vst v63  }
0x28: {  	_ =	swait.ge [sflag:s7], $0x40  }
0x29: {  	[sflag:s7] =	ssyncset.done $0x0  }
0x2a: {  	[sflag:s7] =	ssyncadd.s32 $0xFFFFFFC0  }
0x2b: {  	[tilespmem:s8], [sflag:$0x1] =	stream.indirect.gather [hbm4b:s2+s8], $0x3E8, s3, s8, $0xb8;
	[tilespmem:$0xFA40] =	vst v63  }
0x2c: {  	s10 =	sadd.s32 $0x1, s10;
	_ =	swait.ge [sflag:s9], $0xFA00  }
0x2d: {  	p0 =	sne.s32 s10, s4;
	[sflag:s9] =	ssyncset.done $0x0  }
.Ltmp1:
0x2e: {  	[sflag:s9] =	ssyncadd.s32 $0xFFFF0600;
	(pc) =	sbr.rel @p0 .LBB2_1-.Ltmp1, $4  }
0x2f: {  	[hbm4b:s11+s3] =	stream.linear.scatter [tilespmem:s8], [sflag:$0x2], $0xFA00, $0x38;
	[tilespmem:$0xFA40] =	vst v63  }
0x30: {  	_ =	swait.ge [sflag:s7], $0xFA00  }
0x31: {  	[sflag:s7] =	ssyncset.done $0x0  }
0x32: {  	[sflag:s7] =	ssyncadd.s32 $0xFFFF0600  }
0x33: {  	_ =	sfence.sel $0x180000  }
0x34: {  	[bflag:$0x0] =	sbarrier.arrive $0xFFFF  }
0x35: {  	p0 =	sne.s32 s1, $0x0;
	_ =	strace $0x90000047  }
0x36: {  	s0 =	sadd.s32 @!p0 $0x100000, s0;
	[bflag:$0x2] =	sbarrier.arrive $0xFFFF  }
0x37: {  	[sflag:s0] =	ssyncadd.tile.s32 @!p0 $0x1;
	_ =	shalt  }
.Lfunc_end2:
_tile_overlayer_lowered:
.L_overlay_start_2:
0x38: {  	(tag) =	ssettag $0x2  }
0x39: {  	s0 =	rddreg [dreg:$0x0];
	s2 =	stileid.u32  }
0x3a: {  	s1 =	rddreg [dreg:$0x1];
	p0 =	sne.s32 s2, $0x0  }
0x3b: {  	s3 =	rddreg [dreg:$0x2];
	[bflag:$0x3] =	sbarrier.arrive $0xFFFF;
	s2 =	simm.s32 @!p0 $0x1C02  }
0x3c: {  	[timem:s3], [sflag:s2] =	dma.local @!p0 [hbm:s0], s1  }
0x3d: {  	s0 =	simm.s32 @!p0 $0x2  }
0x3e: {  	_ =	swait.ge @!p0 [sflag:s0], s1  }
0x3f: {  	s1 =	ssub.s32 @!p0 $0x0, s1;
	[sflag:s0] =	ssyncset.done @!p0 $0x0  }
0x40: {  	[sflag:s0] =	ssyncadd.s32 @!p0 s1  }
0x41: {  	[bflag:$0x3] =	sbarrier.arrive $0xFFFF  }
0x42: {  	_ =	shalt  }

// kernel: sparse-core-data-format-call.cloned.1.call-start
scs
called_computation_lowered:
.L_overlay_start_0:
0x0: {  	s2 =	sld [smem:$0x3FD9]  }
0x1: {  	s3 =	sld [smem:$0x3FFE];
	_ =	sdelay $0x1  }
0x2: {  	s1 =	srdreg.scid  }
0x3: {  	s0 =	sand.u32 $0x1, s1  }
0x4: {  	s15 =	sshll.u32 s0, $0xA;
	s2 =	sadd.s32 s3, s2  }
0x5: {  	s2 =	sadd.s32 s2, s15  }
0x6: {  	[smem:$0x3FC6] =	sst s2  }
0x7: {  	_ = 	snop  }
0x8: {  	s2 =	sld [smem:$0x3FD0];
	_ =	sdelay $0x2  }
0x9: {  	s16 =	simm.s32 $0xA;
	s4 =	simm.s32 $0x10  }
0xa: {  	[smem:s4], [sflag:s16] =	dma.local [hbm:s2], $0x1  }
0xb: {  	_ =	swait.eq [sflag:s16], $0x1  }
0xc: {  	[sflag:s16] =	ssyncset.done $0x0  }
0xd: {  	[sflag:s16] =	ssyncadd.s32 $0xFFFFFFFF  }
0xe: {  	s17 =	sld [smem:$0x10];
	(tm) =	ssettm $0x1  }
0xf: {  	s18 =	sld [smem:$0x3FFB];
	_ =	sdelay $0x3  }
0x10: {  	_ =	strace s18  }
0x11: {  	s3 =	sld [smem:$0x3FFC];
	_ =	sdelay $0x3  }
0x12: {  	_ =	strace s3  }
0x13: {  	s3 =	sld [smem:$0x3FFD];
	_ =	sdelay $0x3  }
0x14: {  	_ =	strace s3  }
0x15: {  	_ =	strace $0x8FFFFFFF  }
0x16: {  	s19 =	sld [smem:$0x3FDB];
	_ =	sdelay $0x1  }
0x17: {  	s20 =	simm.s32 $_scs_section_size  }
0x18: {  	s5 =	simm.s32 $_size__tile_overlayer_lowered;
	s6 =	simm.s32 $_tile_overlayer_lowered  }
0x19: {  	s23 =	simm.s32 $0x1BFF;
	s22 =	sshll.u32 s6, $0x1;
	s3 =	sadd.s32 s20, s19  }
0x1a: {  	s7 =	simm.s32 $0x0;
	s21 =	sshll.u32 s5, $0x1;
	s5 =	sadd.s32 s22, s3  }
0x1b: {  	[timem:s7], [sflag:s23] =	dma.local [hbm:s5], s21  }
0x1c: {  	_ =	swait.ge [sflag:s23], s21  }
0x1d: {  	s4 =	ssub.s32 $0x0, s21;
	[sflag:s23] =	ssyncset.done $0x0  }
0x1e: {  	[sflag:s23] =	ssyncadd.s32 s4;
	_ =	sdelay $0x1  }
0x1f: {  	s24 =	simm.s32 $0x1B8B  }
0x20: {  	_ =	swait.ge [sflag:s24], $0x1  }
0x21: {  	[sflag:s24] =	ssyncset.done $0x0  }
0x22: {  	s26 =	simm.s32 $0x1B8E;
	s25 =	sld [smem:$0x3FFE];
	[sflag:s24] =	ssyncadd.s32 $0xFFFFFFFF  }
0x23: {  	s27 =	simm.s32 $execute0_lowered;
	[smem:$0x3FD2] =	sst s26  }
0x24: {  	s5 =	sshll.u32 s27, $0x1;
	_ =	strace $0x80000049;
	[dreg:$0x1] =	wrdreg $0xFFFFFFFF  }
0x25: {  	s28 =	simm.s32 $_size_execute0_lowered;
	s3 =	sadd.s32 s3, s5;
	[dreg:$0x0] =	wrdreg $0x0  }
0x26: {  	s5 =	sshll.u32 s28, $0x1;
	[dreg:$0x2] =	wrdreg s3  }
0x27: {  	[dreg:$0x3] =	wrdreg s5  }
0x28: {  	[dreg:$0x4] =	wrdreg $0xC0  }
0x29: {  	_ =	task [dreg:s7], $0x5FFFF  }
0x2a: {  	[dreg:$0x1] =	wrdreg $0xFFFFFFFF  }
0x2b: {  	[dreg:$0x0] =	wrdreg $0x60  }
0x2c: {  	[dreg:$0x2] =	wrdreg s25  }
0x2d: {  	[dreg:$0x3] =	wrdreg s17  }
0x2e: {  	[dreg:$0x4] =	wrdreg $0x9  }
0x2f: {  	_ =	task.clear_ibuf [dreg:s7], $0x5FFFF;
	_ =	strace $0x90000049  }
0x30: {  	s29 =	simm.s32 $0x9;
	_ =	strace $0x8000004B  }
0x31: {  	_ =	swait.ge [sflag:s29], $0x1  }
0x32: {  	[sflag:s29] =	ssyncadd.s32 $0xFFFFFFFF  }
0x33: {  	_ =	strace $0x9000004B  }
0x34: {  	_ =	sfence  }
0x35: {  	s30 =	sld [smem:$0x0];
	_ =	sdelay $0x2  }
0x36: {  	s31 =	sshll.u32 s1, $0xD;
	s1 =	sshrl.u32 s1, $0x2  }
0x37: {  	s3 =	sand.u32 $0x4000, s31;
	s1 =	sadd.s32 s1, s30  }
0x38: {  	s0 =	sor.u32 s3, s0;
	s1 =	sshll.u32 s1, $0x11  }
0x39: {  	s0 =	sor.u32 s1, s0  }
0x3a: {  	s0 =	sadd.s32 $0x8F2B, s0  }
0x3b: {  	[sflag:s0] =	ssyncadd.remote.s32 $0x1  }
0x3c: {  	_ =	sfence.sel $0xFFFF  }
0x3d: {  	[dreg:$0x0] =	wrdreg $0xFFFFFFFF;
	(pc) =	sbr.abs _section_cstart, $3  }
0x3e: {  	[dreg:$0x1] =	wrdreg $0xFFFFFFFF  }
0x3f: {  	_ =	task.clear_ibuf [dreg:s7], $0x2FFFF;
	_ =	strace $0x9FFFFFFF  }
0x40: {  	(tm) =	ssettm $0x7FFFFFFF  }
0x41: {  	_ =	shalt  }
tec
execute0_lowered:
.L_overlay_start_1:
0x0: {  	(tag) =	ssettag $0x1  }
0x1: {  	s0 =	srdreg.scid  }
0x2: {  	s1 =	sshll.u32 s0, $0x4  }
0x3: {  	s6 =	rddreg [dreg:$0x0];
	s0 =	stileid.u32;
	s1 =	sand.u32 $0x10, s1  }
0x4: {  	s3 =	rddreg [dreg:$0x1];
	s1 =	sor.u32 s0, s1  }
0x5: {  	s5 =	simm.s32 $0x1;
	s31 =	simm.s32 $0x2;
	s2 =	sshll.u32 s1, $0x7  }
0x6: {  	s15 =	simm.s32 $0x0;
	s8 =	simm.s32 $0x8000;
	s4 =	ssub.s32 $0x1000, s2  }
0x7: {  	s14 =	simm.s32 $0x0;
	s9 =	simm.s32 $0x0;
	s30 =	sand.u32 $0xF80, s4  }
0x8: {  	s10 =	simm.s32 $0x0;
	s11 =	simm.s32 $0x0;
	p0 =	sne.s32 s30, $0x0  }
.Ltmp0:
0x9: {  	s7 =	sshrl.u32 s4, $0xC;
	s5 =	simm.s32 @!p0 $0x0;
	(pc) =	sbr.rel .LBB1_1-.Ltmp0, $4  }
0xa: {  	s13 =	simm.s32 $0x0;
	s1 =	rddreg [dreg:$0x2];
	s5 =	sadd.s32 s5, s7  }
0xb: {  	_ =	strace $0x8000004A;
	s4 =	simm.s32 $0x1;
	s5 =	smul.u32 $0xCC, s5  }
0xc: {  	s6 =	sadd.s32 $0x10C00, s6;
	s12 =	smov.u32 s2;
	[sflag:s4] =	ssyncpa.u1 $0x0  }
0xd: {  	[sflag:s31] =	ssyncpa.u1 $0x0;
	p0 =	por $0x0, $0x0;
	s7 =	sor.u32 $0x1, s5  }
.LBB1_4:
0xe: {  	s20 =	sshra.s32 s20, $0x2;
	s27 =	sshll.u32 s9, $0xC  }
0xf: {  	s21 =	sand.u32 $0x78, s10;
	s22 =	sshll.u32 s10, $0x3;
	s24 =	sshll.u32 s9, $0x7  }
0x10: {  	p1 =	sgt.s32 s9, $0x6510;
	s30 =	sshra.s32 s9, $0x1F;
	s25 =	sshra.s32 s10, $0x1F  }
0x11: {  	s19 =	sadd.s32 s20, s19;
	s20 =	sand.u32 $0xFFFF8000, s27;
	s23 =	sand.u32 $0xFFFFFC00, s22  }
0x12: {  	v5 =	vld [tilespmem:s17+$0xFFFFFFD0];
	[tilespmem:s18+$0x2040 ss:$0x81] =	vst.msk $0xffff, v4;
	s22 =	sand.u32 $0xC00, s22;
	s28 =	sand.u32 $0x380, s24;
	s31 =	sand.u32 s30, s9  }
0x13: {  	v58 =	vld [tilespmem:s17+$0xFFFFFFE0];
	[tilespmem:s18+$0x2850 ss:$0x81] =	vst.msk $0xffff, v3;
	s24 =	smov.u32 s10;
	s25 =	sand.u32 s25, s10;
	s21 =	sor.u32 s21, s22  }
0x14: {  	v59 =	vld [tilespmem:s17+$0xFFFFFFF0];
	[tilespmem:s18+$0x3060 ss:$0x81] =	vst.msk $0xffff, v2;
	s20 =	sadd.s32 s23, s20;
	s22 =	smov.u32 s9;
	s21 =	sor.u32 s28, s21  }
0x15: {  	v60 =	vld [tilespmem:s17+$0x0];
	[tilespmem:s18+$0x0 ss:$0x81] =	vst.msk $0xffff, v1;
	s20 =	sshrl.u32 s20, $0xC;
	s22 =	simm.s32 @!p1 $0x6510;
	p1 =	sgt.s32 s10, $0xF80  }
0x16: {  	v61 =	vld [tilespmem:s17+$0x10];
	[tilespmem:s19+$0x3870 ss:$0x81] =	vst.msk $0xffff, v0;
	s29 =	smulhi.u32 $0x142A39, s20;
	s18 =	ssub.s32 s22, s31;
	s24 =	simm.s32 @!p1 $0xF80  }
0x17: {  	v62 =	vld [tilespmem:s17+$0x20];
	[tilespmem:s19+$0x810 ss:$0x81] =	vst.msk $0xffff, v5;
	s22 =	ssub.s32 s24, s25;
	s26 =	sadd.s32 $0xFFFF9AF0, s18;
	s18 =	ssub.s32 $0x6590, s18  }
0x18: {  	v63 =	vld [tilespmem:s17+$0xFFFFFFC0];
	[tilespmem:s19+$0x1020 ss:$0x81] =	vst.msk $0xffff, v58;
	s23 =	sshrl.u32 s29, $0x3;
	p1 =	sgt.s32 s26, $0x7F;
	s28 =	sadd.s32 $0xFFFFF080, s22  }
0x19: {  	[tilespmem:s19+$0x1830 ss:$0x81] =	vst.msk $0xffff, v59;
	s22 =	ssub.s32 $0x1000, s22;
	s27 =	smul.u32 $0x6590, s23;
	p2 =	sgt.s32 s28, $0x7F  }
0x1a: {  	s30 =	sand.u32 $0x7, s10;
	[tilespmem:s19+$0x2040 ss:$0x81] =	vst.msk $0xffff, v60;
	s18 =	simm.s32 @p1 $0x0;
	s22 =	simm.s32 @p2 $0x0  }
0x1b: {  	[tilespmem:s19+$0x2850 ss:$0x81] =	vst.msk $0xffff, v61;
	s29 =	sshrl.u32 s21, $0x3;
	s17 =	ssub.s32 s20, s27;
	s18 =	smul.u32 s22, s18  }
0x1c: {  	[tilespmem:s19+$0x3060 ss:$0x81] =	vst.msk $0xffff, v62;
	s21 =	sshll.u32 s30, $0x12;
	s20 =	sadd.s32 s3, s29;
	s17 =	sshll.u32 s17, $0x9  }
0x1d: {  	[tilespmem:s19+$0x0 ss:$0x81] =	vst.msk $0xffff, v63;
	s31 =	sor.u32 $0x400, s21;
	s18 =	sand.u32 $0x3FFFFFFF, s18;
	s17 =	sadd.s32 s17, s20  }
0x1e: {  	[hbm4b:s17+s31] =	stream.strided.scatter [tilespmem:s16], [sflag:$0x2], s18, s8, s31, $0x20;
	[tilespmem:$0x10100] =	vst v63  }
.LBB1_5:
0x1f: {  	p1 =	slt.u32 s13, $0x2  }
0x20: {  	s17 =	smov.u32 s15;
	p2 =	sgt.s32 @!p1 s15, $0x6510;
	s16 =	sshra.s32 @!p1 s15, $0x1F  }
0x21: {  	p3 =	sgt.s32 @!p1 s14, $0xF80;
	s18 =	sshra.s32 @!p1 s14, $0x1F;
	p2 =	por !p2, p1  }
0x22: {  	s15 =	sand.u32 @!p1 s16, s15;
	p3 =	por !p3, p1;
	s16 =	smov.u32 s14  }
0x23: {  	s14 =	sand.u32 @!p1 s18, s14;
	s17 =	simm.s32 @p2 $0x6510;
	s16 =	simm.s32 @p3 $0xF80  }
0x24: {  	s15 =	ssub.s32 @!p1 s17, s15;
	s14 =	ssub.s32 @!p1 s16, s14  }
0x25: {  	s18 =	smov.u32 s12;
	s16 =	sadd.s32 @!p1 $0xFFFF9AF0, s15;
	s17 =	sadd.s32 @!p1 $0xFFFFF080, s14  }
0x26: {  	s15 =	ssub.s32 @!p1 $0x6590, s15;
	p2 =	sgt.s32 @!p1 s16, $0x7F;
	p3 =	sgt.s32 @!p1 s17, $0x7F  }
0x27: {  	s14 =	ssub.s32 @!p1 $0x1000, s14;
	p2 =	por !p2, p1;
	p3 =	por !p3, p1  }
0x28: {  	s16 =	sadd.s32 $0x80, s11;
	s15 =	simm.s32 @!p2 $0x0;
	s14 =	simm.s32 @!p3 $0x0  }
0x29: {  	p2 =	sgt.s32 s16, $0x658F;
	s14 =	smul.u32 @!p1 s14, s15;
	s15 =	sadd.s32 $0x1000, s12  }
0x2a: {  	s18 =	smov.u32 @p2 s15  }
0x2b: {  	s16 =	simm.s32 @p2 $0x0;
	p2 =	sgt.s32 s18, $0xFFF  }
0x2c: {  	s18 =	smov.u32 @p2 s2;
	p2 =	sne.s32 s13, s7  }
.Ltmp1:
0x2d: {  	p0 =	por !p0, !p0;
	s17 =	simm.s32 @!p1 $0x2;
	(pc) =	sbr.rel @!p2 .LBB1_6-.Ltmp1, $4  }
0x2e: {  	s15 =	smov.u32 s9;
	s9 =	smov.u32 s11;
	s14 =	sand.u32 @!p1 $0x3FFFFFFF, s14  }
0x2f: {  	s11 =	smov.u32 s16;
	_ =	swait.ge @!p1 [sflag:s17], s14;
	s19 =	ssub.s32 @!p1 $0x0, s14  }
0x30: {  	s14 =	smov.u32 s10;
	s13 =	sadd.s32 $0x1, s13;
	[sflag:s17] =	ssyncset.done @!p1 $0x0  }
0x31: {  	s10 =	smov.u32 s12;
	s12 =	smov.u32 s18;
	[sflag:s17] =	ssyncadd.s32 @!p1 s19  }
.LBB1_1:
0x32: {  	p1 =	sge.u32 s13, s5  }
0x33: {  	s16 =	sshrl.u32 @!p1 s12, $0x3  }
0x34: {  	s17 =	sshll.u32 @!p1 s11, $0x3;
	s16 =	smul.u32 @!p1 $0x33000, s16  }
0x35: {  	s18 =	sshll.u32 @!p1 s12, $0x7;
	s17 =	sand.u32 @!p1 $0xFFFFFC00, s17  }
0x36: {  	s16 =	sadd.s32 @!p1 s16, s17;
	s17 =	sand.u32 @!p1 $0x380, s18  }
0x37: {  	s18 =	sand.u32 @!p1 $0x7F, s11;
	s16 =	sor.u32 @!p1 s17, s16  }
0x38: {  	s17 =	sor.u32 @!p1 s18, s16  }
0x39: {  	s18 =	smulhi.u32 @!p1 $0xA0A0A0A1, s17;
	_ =	sdelay $0x1  }
0x3a: {  	s16 =	smulhi.u32 @!p1 $0xA0A0A0A1, s16;
	s18 =	sshrl.u32 @!p1 s18, $0xE  }
0x3b: {  	s18 =	smul.u32 @!p1 $0x6600, s18  }
0x3c: {  	s31 =	sadd.s32 $0xFFFFFFFF, s13;
	s19 =	sxor.u32 @!p1 $0xFFFFFFFF, s13;
	s16 =	sshrl.u32 @!p1 s16, $0xE  }
0x3d: {  	s19 =	sshll.u32 @!p1 s19, $0xE;
	s16 =	sand.u32 @!p1 $0xFFF, s16;
	s17 =	ssub.s32 @!p1 s17, s18  }
0x3e: {  	s16 =	smul.u32 @!p1 $0xCC0, s16;
	s18 =	sshrl.u32 @!p1 s17, $0x3;
	s17 =	sand.u32 @!p1 $0x7, s17  }
0x3f: {  	s19 =	sand.u32 @!p1 $0x4000, s19;
	s18 =	sadd.s32 @!p1 s6, s18;
	s17 =	sshll.u32 @!p1 s17, $0x12  }
0x40: {  	s16 =	sadd.s32 @!p1 s16, s18;
	s17 =	sor.u32 @!p1 $0x400, s17;
	s18 =	simm.s32 @!p1 $0x33000  }
0x41: {  	[tilespmem:s19], [sflag:$0x1] =	stream.strided.gather @!p1 [hbm4b:s16+s17], $0x4000, s18, s17, $0x38;
	[tilespmem:$0x10100] =	vst v63  }
0x42: {  	p1 =	sge.u32 s31, s5  }
.Ltmp2:
0x43: {  	_ = 	snop;
	(pc) =	sbr.rel @p1 .LBB1_5-.Ltmp2, $1  }
0x44: {  	_ =	sdelay $0x3  }
0x45: {  	s16 =	simm.s32 $0x1  }
0x46: {  	_ =	swait.ge [sflag:s4], $0x4000;
	s16 =	simm.s32 @!p0 $0x0  }
0x47: {  	[sflag:s4] =	ssyncset.done $0x0;
	s17 =	sshll.u32 s16, $0xE  }
0x48: {  	[sflag:s4] =	ssyncadd.s32 $0xFFFFC000;
	s17 =	sor.u32 $0x40, s17  }
0x49: {  	s16 =	smul.u32 $0x10200, s16;
	v0 =	vld [tilespmem:s17+$0x30]  }
0x4a: {  	v1 =	vld [tilespmem:s17+$0xFFFFFFD0]  }
0x4b: {  	s16 =	sshrl.u32 s16, $0x2;
	v5 =	vld [tilespmem:s17+$0xFFFFFFE0]  }
0x4c: {  	v6 =	vld [tilespmem:s17+$0xFFFFFFF0];
	s19 =	sor.u32 $0x8000, s16  }
0x4d: {  	s31 =	sand.u32 $0x1, s13;
	v4 =	vld [tilespmem:s17+$0x0];
	s18 =	sadd.s32 $0x0, s19  }
0x4e: {  	v3 =	vld [tilespmem:s17+$0x10];
	s16 =	smul.u32 $0x10200, s31;
	[tilespmem:s18+$0x3870 ss:$0x81] =	vst.msk $0xffff, v0  }
0x4f: {  	v2 =	vld [tilespmem:s17+$0x20];
	[tilespmem:s18+$0x810 ss:$0x81] =	vst.msk $0xffff, v1  }
0x50: {  	s16 =	sshrl.u32 s16, $0x2;
	v1 =	vld [tilespmem:s17+$0xFFFFFFC0];
	[tilespmem:s18+$0x1020 ss:$0x81] =	vst.msk $0xffff, v5;
	s17 =	sadd.s32 $0x80, s17  }
0x51: {  	s20 =	simm.s32 $0x4;
	s21 =	simm.s32 $0x8;
	s16 =	sor.u32 $0x8000, s16;
	[tilespmem:s18+$0x1830 ss:$0x81] =	vst.msk $0xffff, v6;
	v0 =	vld [tilespmem:s17+$0x30]  }
.LBB1_3:
0x52: {  	p1 =	sne.s32 s21, $0x1FC;
	v5 =	vld [tilespmem:s17+$0xFFFFFFD0];
	[tilespmem:s18+$0x2040 ss:$0x81] =	vst.msk $0xffff, v4  }
0x53: {  	v6 =	vld [tilespmem:s17+$0xFFFFFFE0];
	[tilespmem:s18+$0x2850 ss:$0x81] =	vst.msk $0xffff, v3  }
0x54: {  	s22 =	sshra.s32 s20, $0x2;
	s20 =	smov.u32 s21;
	v7 =	vld [tilespmem:s17+$0xFFFFFFF0];
	[tilespmem:s18+$0x3060 ss:$0x81] =	vst.msk $0xffff, v2  }
.Ltmp3:
0x55: {  	v4 =	vld [tilespmem:s17+$0x0];
	[tilespmem:s18+$0x0 ss:$0x81] =	vst.msk $0xffff, v1;
	s18 =	sadd.s32 s22, s19;
	(pc) =	sbr.rel @p1 .LBB1_3-.Ltmp3, $4  }
0x56: {  	v3 =	vld [tilespmem:s17+$0x10];
	[tilespmem:s18+$0x3870 ss:$0x81] =	vst.msk $0xffff, v0  }
0x57: {  	[tilespmem:s18+$0x810 ss:$0x81] =	vst.msk $0xffff, v5;
	v2 =	vld [tilespmem:s17+$0x20]  }
0x58: {  	v1 =	vld [tilespmem:s17+$0xFFFFFFC0];
	[tilespmem:s18+$0x1020 ss:$0x81] =	vst.msk $0xffff, v6;
	s17 =	sadd.s32 $0x80, s17  }
0x59: {  	s21 =	sadd.s32 $0x4, s21;
	v0 =	vld [tilespmem:s17+$0x30];
	[tilespmem:s18+$0x1830 ss:$0x81] =	vst.msk $0xffff, v7  }
.Ltmp4:
0x5a: {  	_ = 	snop;
	(pc) =	sbr.rel .LBB1_4-.Ltmp4, $1  }
0x5b: {  	_ =	sdelay $0x3  }
.LBB1_6:
0x5c: {  	_ =	sfence.sel $0x180000  }
0x5d: {  	s2 =	simm.s32 $0x1;
	[bflag:$0x0] =	sbarrier.arrive $0xFFFF  }
0x5e: {  	s31 =	simm.s32 $0x2;
	[sflag:s2] =	ssyncpa.u1 $0x1  }
0x5f: {  	[sflag:s31] =	ssyncpa.u1 $0x1  }
0x60: {  	p0 =	sne.s32 s0, $0x0;
	_ =	strace $0x9000004A  }
0x61: {  	s0 =	sadd.s32 @!p0 $0x100000, s1;
	[bflag:$0x2] =	sbarrier.arrive $0xFFFF  }
0x62: {  	[sflag:s0] =	ssyncadd.tile.s32 @!p0 $0x1;
	_ =	shalt  }
.Lfunc_end1:
_tile_overlayer_lowered:
.L_overlay_start_2:
0x63: {  	(tag) =	ssettag $0x2  }
0x64: {  	s0 =	rddreg [dreg:$0x0];
	s2 =	stileid.u32  }
0x65: {  	s1 =	rddreg [dreg:$0x1];
	p0 =	sne.s32 s2, $0x0  }
0x66: {  	s3 =	rddreg [dreg:$0x2];
	[bflag:$0x3] =	sbarrier.arrive $0xFFFF;
	s2 =	simm.s32 @!p0 $0x1C01  }
0x67: {  	[timem:s3], [sflag:s2] =	dma.local @!p0 [hbm:s0], s1  }
0x68: {  	s0 =	simm.s32 @!p0 $0x1  }
0x69: {  	_ =	swait.ge @!p0 [sflag:s0], s1  }
0x6a: {  	s1 =	ssub.s32 @!p0 $0x0, s1;
	[sflag:s0] =	ssyncset.done @!p0 $0x0  }
0x6b: {  	[sflag:s0] =	ssyncadd.s32 @!p0 s1  }
0x6c: {  	[bflag:$0x3] =	sbarrier.arrive $0xFFFF  }
0x6d: {  	_ =	shalt  }

</sc_bundles>
